<compile_context>
chip_gen: v7x
topology: tpu7x:2x2x1
jax: 0.10.2.dev20260603
libtpu: 0.0.44.dev20260713+nightly
codegen_flags: <defaults>
</compile_context>

<pallas_src>
import functools
import math

import jax
import jax.numpy as jnp
from jax import lax
from jax.experimental import pallas as pl
from jax.experimental.pallas import tpu as pltpu
from jax.experimental.pallas import tpu_sc as plsc

_SIZE = 32000
_N_TOK = 2048
_SMOOTHING = 0.1
_CONF = 1.0 - _SMOOTHING
_S = _SMOOTHING / (_SIZE - 2)
_C1 = _CONF * math.log(_CONF) + (_SIZE - 2) * _S * math.log(_S)

_R = 128
_W = 16000

_LANES = 16
_NC = 2
_NS = 16
_NW = _NC * _NS
_BPW = _N_TOK // _NW


def _tc_body(tcol_ref, trow_ref, x_ref, out_ref):
    i = pl.program_id(0)
    j = pl.program_id(1)

    x = x_ref[...]
    tcol = tcol_ref[...]
    trow = trow_ref[...]

    has_nz = jnp.any(trow != 0)
    has_z = jnp.any(trow == 0)

    rid = lax.broadcasted_iota(jnp.int32, (_R, 1), 0) + i * _R
    surv = (tcol != 0) \
        & jnp.logical_not((rid == 0) & has_nz) \
        & jnp.logical_not((rid == 1) & has_z)
    survf = surv.astype(jnp.float32)

    rs = jnp.sum(x, axis=1, keepdims=True)
    partial = (-_S) * jnp.sum(survf * rs)
    partial = partial + jnp.where(
        j == 0, _S * jnp.sum(survf * x[:, 0:1]), 0.0)

    first = (i == 0) & (j == 0)

    @pl.when(first)
    def _():
        out_ref[...] = jnp.reshape(partial, (1, 1))

    @pl.when(jnp.logical_not(first))
    def _():
        out_ref[...] = out_ref[...] + partial


def _tc_call(x, tcol, trow):
    return pl.pallas_call(
        _tc_body,
        grid=(_N_TOK // _R, _SIZE // _W),
        in_specs=[
            pl.BlockSpec((_R, 1), lambda i, j: (i, 0)),
            pl.BlockSpec((1, _N_TOK), lambda i, j: (0, 0)),
            pl.BlockSpec((_R, _W), lambda i, j: (i, j)),
        ],
        out_specs=pl.BlockSpec((1, 1), lambda i, j: (0, 0)),
        out_shape=jax.ShapeDtypeStruct((1, 1), jnp.float32),
    )(tcol, trow, x)


_sc_mesh = plsc.VectorSubcoreMesh(core_axis_name="c", subcore_axis_name="s")


@functools.partial(
    pl.kernel,
    mesh=_sc_mesh,
    compiler_params=pltpu.CompilerParams(needs_layout_passes=False),
    out_type=jax.ShapeDtypeStruct((_NW, _LANES), jnp.float32),
    scratch_types=[
        pltpu.VMEM((_BPW,), jnp.int32),
        pltpu.VMEM((_BPW, 8, 128), jnp.float32),
        pltpu.VMEM((_N_TOK,), jnp.int32),
        pltpu.VMEM((_LANES,), jnp.float32),
        pltpu.VMEM((_LANES,), jnp.int32),
        pltpu.SemaphoreType.DMA,
    ],
)
def _sc_part(x_hbm, tgt_hbm, out_hbm,
             tgt_v, rows_v, tfull_v, part_v, zbuf_v, sem):
    wid = lax.axis_index("s") * _NC + lax.axis_index("c")
    base = wid * _BPW

    pltpu.sync_copy(tgt_hbm.at[pl.ds(base, _BPW)], tgt_v)
    pltpu.sync_copy(tgt_hbm, tfull_v)

    lane = lax.broadcasted_iota(jnp.int32, (_LANES,), 0)

    def _fire(r, carry):
        t_spl = plsc.load_gather(tgt_v, [jnp.zeros_like(lane) + r])
        cstart = pl.multiple_of(
            jnp.bitwise_and(t_spl[0], jnp.int32(~127)), 128)
        rstart = pl.multiple_of(base + jnp.bitwise_and(r, ~7), 8)
        pltpu.async_copy(
            x_hbm.at[pl.ds(rstart, 8), pl.ds(cstart, 128)],
            rows_v.at[r], sem)
        return carry
    lax.fori_loop(0, _BPW, _fire, 0)

    def _drain(r, carry):
        pltpu.make_async_copy(
            x_hbm.at[pl.ds(0, 8), pl.ds(0, 128)], rows_v.at[0], sem).wait()
        return carry
    lax.fori_loop(0, _BPW, _drain, 0)

    def _scan(k, z):
        t16 = tfull_v[pl.ds(k * _LANES, _LANES)]
        return z + jnp.where(t16 == 0, 1, 0).astype(jnp.int32)
    zcnt = lax.fori_loop(0, _N_TOK // _LANES, _scan,
                         jnp.zeros((_LANES,), jnp.int32))
    for step in (1, 2, 4, 8):
        zbuf_v[...] = zcnt
        zcnt = zcnt + plsc.load_gather(zbuf_v, [jnp.bitwise_xor(lane, step)])
    has_z = zcnt > 0

    zero16 = jnp.zeros((_LANES,), jnp.float32)
    acc = zero16
    cnt = zero16
    g_first = zero16
    t_first = jnp.zeros((_LANES,), jnp.int32)
    sub16 = jnp.bitwise_and(lane, 7)
    for k in range(_BPW // _LANES):
        t16 = tgt_v[pl.ds(k * _LANES, _LANES)]
        col16 = jnp.bitwise_and(t16, 127)
        row16 = k * _LANES + lane
        g16 = plsc.load_gather(rows_v, [row16, sub16, col16])
        m = t16 != 0
        acc = acc + jnp.where(m, g16, 0.0)
        cnt = cnt + jnp.where(m, 1.0, 0.0)
        if k == 0:
            g_first = g16
            t_first = t16

    cm = ((lane == 0) & (t_first != 0)) \
        | ((lane == 1) & (t_first != 0) & has_z)
    cm = cm & (wid == 0)
    acc = acc - jnp.where(cm, g_first, 0.0)
    cnt = cnt - jnp.where(cm, 1.0, 0.0)

    part_v[...] = _C1 * cnt - (_CONF - _S) * acc
    pltpu.sync_copy(part_v, out_hbm.at[wid])


def kernel(x, target):
    tcol = target.reshape(_N_TOK, 1)
    trow = target.reshape(1, _N_TOK)
    a = _tc_call(x, tcol, trow)
    part = _sc_part(x, target)
    return a[0, 0] + jnp.sum(part)

# --- scband reference (transcript-rebuilt; emitter-appended) ---
"""Pipeline reference for scband-label-smoothing-34729105555704 (READ-ONLY COPY).

The authoritative reference and input builder live on the scoring server;
editing this copy changes nothing except your own understanding.
"""

import jax, jax.numpy as jnp
import numpy as np

SIZE = 32000
PADDING_IDX = 0
SMOOTHING = 0.1
CONFIDENCE = 1.0 - SMOOTHING
N_TOK = 2048


def setup_inputs(seed: int = 0) -> dict:
    key = jax.random.key(seed)
    k1, k2 = jax.random.split(key)
    x = jax.random.normal(k1, (N_TOK, SIZE), dtype=jnp.float32)
    target = jax.random.randint(k2, (N_TOK,), 0, SIZE, dtype=jnp.int32)
    return {"x": x, "target": target}


def reference(x, target):
    n = x.shape[0]
    # true_dist = full_like(x, smoothing / (size - 2))
    true_dist = jnp.full(x.shape, SMOOTHING / (SIZE - 2), dtype=x.dtype)
    # scatter_(1, target.unsqueeze(1), confidence)
    true_dist = true_dist.at[jnp.arange(n), target].set(CONFIDENCE)
    # true_dist[:, padding_idx] = 0
    true_dist = true_dist.at[:, PADDING_IDX].set(0.0)
    # mask = target == padding_idx; true_dist[mask] = 0
    mask = target == PADDING_IDX
    true_dist = jnp.where(mask[:, None], 0.0, true_dist)
    # faithful replication of torch quirk: index_fill_(0, mask.long(), 0.0)
    # mask.long() is a length-N vector of 0/1 used as ROW indices -> zeros row 0
    # (and row 1 if any padding present)
    true_dist = true_dist.at[mask.astype(jnp.int32)].set(0.0)
    # KLDivLoss(reduction='sum'): sum(t * (log(t) - x)), with 0*log(0) := 0
    kl = jnp.where(true_dist > 0, true_dist * (jnp.log(jnp.where(true_dist > 0, true_dist, 1.0)) - x), 0.0)
    return jnp.sum(kl)

if __name__ == "__main__":
    import jax
    _d = setup_inputs()
    print(jax.jit(kernel)(*tuple(_d.values())))

</pallas_src>

<mosaic_0001>
#map = affine_map<(d0, d1) -> (0, 0)>
#map1 = affine_map<(d0, d1) -> (0)>
module attributes {stable_mosaic.version = 14 : i64} {
  func.func @_sc_part(%arg0: i32, %arg1: i32, %arg2: memref<2048x32000xf32, #tpu.memory_space<hbm>>, %arg3: memref<2048xi32, #tpu.memory_space<hbm>>, %arg4: memref<32x16xf32, #tpu.memory_space<hbm>>, %arg5: memref<64xi32, #tpu.memory_space<vmem>>, %arg6: memref<64x8x128xf32, #tpu.memory_space<vmem>>, %arg7: memref<2048xi32, #tpu.memory_space<vmem>>, %arg8: memref<16xf32, #tpu.memory_space<vmem>>, %arg9: memref<16xi32, #tpu.memory_space<vmem>>, %arg10: memref<!tpu.dma_semaphore, #tpu.memory_space<semaphore_mem>>) attributes {dimension_semantics = [#tpu.dimension_semantics<core_parallel>, #tpu.dimension_semantics<subcore_parallel>], iteration_bounds = array<i64: 2, 16>, scalar_prefetch = 0 : i64, scratch_operands = 6 : i64, tpu.core_type = #tpu.core_type<sc_vector_subcore>, window_params = [{transform_indices = #map}, {transform_indices = #map1}, {transform_indices = #map}]} {
    %mul3A = arith.constant 2 : i32
    %mul3A_0 = arith.muli %arg1, %mul3A : i32
    %add3A = arith.addi %mul3A_0, %arg0 : i32
    %mul3A_1 = arith.constant 64 : i32
    %mul3A_2 = arith.muli %add3A, %mul3A_1 : i32
    "tpu.region"() ({
      %run_scoped3A = tpu.sem_alloc : memref<!tpu.dma_semaphore, #tpu.memory_space<semaphore_mem>>
      %dma_start3A = tpu.memref_slice %arg3[%mul3A_2] : memref<2048xi32, #tpu.memory_space<hbm>> -> memref<64xi32, #tpu.memory_space<hbm>>
      %dma_start3A_174 = tpu.memref_slice %arg3[%mul3A_2] : memref<2048xi32, #tpu.memory_space<hbm>> -> memref<64xi32, #tpu.memory_space<hbm>>
      tpu.enqueue_dma source(%dma_start3A_174 : memref<64xi32, #tpu.memory_space<hbm>>) target(%arg5 : memref<64xi32, #tpu.memory_space<vmem>>) target_semaphore(%run_scoped3A : memref<!tpu.dma_semaphore, #tpu.memory_space<semaphore_mem>>)
      %dma_wait3A = tpu.memref_slice %arg3[%mul3A_2] : memref<2048xi32, #tpu.memory_space<hbm>> -> memref<64xi32, #tpu.memory_space<hbm>>
      %dma_wait3A_175 = tpu.memref_slice %arg3[%mul3A_2] : memref<2048xi32, #tpu.memory_space<hbm>> -> memref<64xi32, #tpu.memory_space<hbm>>
      tpu.wait_dma2 semaphore(%run_scoped3A : memref<!tpu.dma_semaphore, #tpu.memory_space<semaphore_mem>>) src(%dma_wait3A_175 : memref<64xi32, #tpu.memory_space<hbm>>) dst(%arg5 : memref<64xi32, #tpu.memory_space<vmem>>)
      tpu.yield
    }) : () -> ()
    "tpu.region"() ({
      %run_scoped3A = tpu.sem_alloc : memref<!tpu.dma_semaphore, #tpu.memory_space<semaphore_mem>>
      tpu.enqueue_dma source(%arg3 : memref<2048xi32, #tpu.memory_space<hbm>>) target(%arg7 : memref<2048xi32, #tpu.memory_space<vmem>>) target_semaphore(%run_scoped3A : memref<!tpu.dma_semaphore, #tpu.memory_space<semaphore_mem>>)
      tpu.wait_dma2 semaphore(%run_scoped3A : memref<!tpu.dma_semaphore, #tpu.memory_space<semaphore_mem>>) src(%arg3 : memref<2048xi32, #tpu.memory_space<hbm>>) dst(%arg7 : memref<2048xi32, #tpu.memory_space<vmem>>)
      tpu.yield
    }) : () -> ()
    %iota3A = tpu.iota {dimensions = array<i32: 0>} : vector<16xi32>
    %scan3A = arith.constant 0 : i32
    %scan3A_3 = arith.constant 0 : i32
    %scan3A_4 = arith.constant 64 : i32
    %scan3A_5 = arith.addi %scan3A_3, %scan3A_4 : i32
    %scan3A_6 = arith.constant 1 : i32
    scf.for %scan3A_174 = %scan3A_3 to %scan3A_5 step %scan3A_6  : i32 {
      %broadcast_in_dim3A_175 = arith.constant 0 : i32
      %broadcast_in_dim3A_176 = vector.broadcast %broadcast_in_dim3A_175 : i32 to vector<16xi32>
      %add3A_177 = vector.broadcast %scan3A_174 : i32 to vector<16xi32>
      %add3A_178 = arith.addi %broadcast_in_dim3A_176, %add3A_177 : vector<16xi32>
      %gather3A_179 = tpu.vector_load_idx %arg5[%add3A_178] : memref<64xi32, #tpu.memory_space<vmem>>[vector<16xi32>], vector<16xi32>,
      %slice3A = vector.extract_strided_slice %gather3A_179 {offsets = [0], sizes = [1], strides = [1]} : vector<16xi32> to vector<1xi32>
      %squeeze3A = vector.extract %slice3A[0] : i32 from vector<1xi32>
      %and3A_180 = arith.constant -128 : i32
      %and3A_181 = arith.andi %squeeze3A, %and3A_180 : i32
      %multiple_of3A = tpu.assume_multiple %and3A_181, 128 : i32
      %and3A_182 = arith.constant -8 : i32
      %and3A_183 = arith.andi %scan3A_174, %and3A_182 : i32
      %add3A_184 = arith.addi %mul3A_2, %and3A_183 : i32
      %multiple_of3A_185 = tpu.assume_multiple %add3A_184, 8 : i32
      %dma_start3A = arith.constant 0 : i32
      %dma_start3A_186 = arith.constant 0 : i32
      %dma_start3A_187 = tpu.memref_slice %arg6[%scan3A_174, %dma_start3A, %dma_start3A_186] : memref<64x8x128xf32, #tpu.memory_space<vmem>> -> memref<1x8x128xf32, #tpu.memory_space<vmem>>
      %dma_start3A_188 = tpu.memref_squeeze %dma_start3A_187 : memref<1x8x128xf32, #tpu.memory_space<vmem>> -> memref<8x128xf32, #tpu.memory_space<vmem>>
      %dma_start3A_189 = tpu.memref_slice %arg2[%multiple_of3A_185, %multiple_of3A] : memref<2048x32000xf32, #tpu.memory_space<hbm>> -> memref<8x128xf32, #tpu.memory_space<hbm>>
      %dma_start3A_190 = arith.constant 0 : i32
      %dma_start3A_191 = arith.constant 0 : i32
      %dma_start3A_192 = tpu.memref_slice %arg6[%scan3A_174, %dma_start3A_190, %dma_start3A_191] : memref<64x8x128xf32, #tpu.memory_space<vmem>> -> memref<1x8x128xf32, #tpu.memory_space<vmem>>
      %dma_start3A_193 = tpu.memref_squeeze %dma_start3A_192 : memref<1x8x128xf32, #tpu.memory_space<vmem>> -> memref<8x128xf32, #tpu.memory_space<vmem>>
      %dma_start3A_194 = tpu.memref_slice %arg2[%multiple_of3A_185, %multiple_of3A] : memref<2048x32000xf32, #tpu.memory_space<hbm>> -> memref<8x128xf32, #tpu.memory_space<hbm>>
      tpu.enqueue_dma source(%dma_start3A_194 : memref<8x128xf32, #tpu.memory_space<hbm>>) target(%dma_start3A_193 : memref<8x128xf32, #tpu.memory_space<vmem>>) target_semaphore(%arg10 : memref<!tpu.dma_semaphore, #tpu.memory_space<semaphore_mem>>)
    }
    %scan3A_7 = arith.constant 64 : i32
    %scan3A_8 = arith.constant 0 : i32
    %scan3A_9 = arith.constant 0 : i32
    %scan3A_10 = arith.constant 64 : i32
    %scan3A_11 = arith.addi %scan3A_9, %scan3A_10 : i32
    %scan3A_12 = arith.constant 1 : i32
    scf.for %scan3A_174 = %scan3A_9 to %scan3A_11 step %scan3A_12  : i32 {
      %dma_wait3A = arith.constant 0 : i32
      %dma_wait3A_175 = arith.constant 0 : i32
      %dma_wait3A_176 = arith.constant 0 : i32
      %dma_wait3A_177 = tpu.memref_slice %arg6[%dma_wait3A, %dma_wait3A_175, %dma_wait3A_176] : memref<64x8x128xf32, #tpu.memory_space<vmem>> -> memref<1x8x128xf32, #tpu.memory_space<vmem>>
      %dma_wait3A_178 = tpu.memref_squeeze %dma_wait3A_177 : memref<1x8x128xf32, #tpu.memory_space<vmem>> -> memref<8x128xf32, #tpu.memory_space<vmem>>
      %dma_wait3A_179 = arith.constant 0 : i32
      %dma_wait3A_180 = arith.constant 0 : i32
      %dma_wait3A_181 = tpu.memref_slice %arg2[%dma_wait3A_179, %dma_wait3A_180] : memref<2048x32000xf32, #tpu.memory_space<hbm>> -> memref<8x128xf32, #tpu.memory_space<hbm>>
      %dma_wait3A_182 = arith.constant 0 : i32
      %dma_wait3A_183 = arith.constant 0 : i32
      %dma_wait3A_184 = tpu.memref_slice %arg6[%dma_wait3A, %dma_wait3A_182, %dma_wait3A_183] : memref<64x8x128xf32, #tpu.memory_space<vmem>> -> memref<1x8x128xf32, #tpu.memory_space<vmem>>
      %dma_wait3A_185 = tpu.memref_squeeze %dma_wait3A_184 : memref<1x8x128xf32, #tpu.memory_space<vmem>> -> memref<8x128xf32, #tpu.memory_space<vmem>>
      %dma_wait3A_186 = arith.constant 0 : i32
      %dma_wait3A_187 = arith.constant 0 : i32
      %dma_wait3A_188 = tpu.memref_slice %arg2[%dma_wait3A_186, %dma_wait3A_187] : memref<2048x32000xf32, #tpu.memory_space<hbm>> -> memref<8x128xf32, #tpu.memory_space<hbm>>
      tpu.wait_dma2 semaphore(%arg10 : memref<!tpu.dma_semaphore, #tpu.memory_space<semaphore_mem>>) src(%dma_wait3A_188 : memref<8x128xf32, #tpu.memory_space<hbm>>) dst(%dma_wait3A_185 : memref<8x128xf32, #tpu.memory_space<vmem>>)
    }
    %scan3A_13 = arith.constant 64 : i32
    %broadcast_in_dim3A = arith.constant 0 : i32
    %broadcast_in_dim3A_14 = vector.broadcast %broadcast_in_dim3A : i32 to vector<16xi32>
    %scan3A_15 = arith.constant 0 : i32
    %scan3A_16 = arith.constant 128 : i32
    %scan3A_17 = arith.addi %scan3A_15, %scan3A_16 : i32
    %scan3A_18 = arith.constant 1 : i32
    %scan3A_19 = scf.for %scan3A_174 = %scan3A_15 to %scan3A_17 step %scan3A_18 iter_args(%scan3A_175 = %broadcast_in_dim3A_14) -> (vector<16xi32>)  : i32 {
      %mul3A_176 = arith.constant 16 : i32
      %mul3A_177 = arith.muli %scan3A_174, %mul3A_176 : i32
      %get3A_178 = arith.index_cast %mul3A_177 : i32 to index
      %get3A_179 = tpu.vector_load %arg7[%get3A_178] {strides = array<i32>} : memref<2048xi32, #tpu.memory_space<vmem>>, vector<16xi32>,
      %eq3A_180 = arith.constant 0 : i32
      %eq3A_181 = vector.broadcast %eq3A_180 : i32 to vector<16xi32>
      %eq3A_182 = arith.cmpi eq, %get3A_179, %eq3A_181 : vector<16xi32>
      %jit3A_183 = arith.constant 1 : i32
      %jit3A_184 = arith.constant 0 : i32
      %broadcast_in_dim3A_185 = vector.broadcast %jit3A_183 : i32 to vector<16xi32>
      %broadcast_in_dim3A_186 = vector.broadcast %jit3A_184 : i32 to vector<16xi32>
      %select_n3A_187 = arith.select %eq3A_182, %broadcast_in_dim3A_185, %broadcast_in_dim3A_186 : vector<16xi1>, vector<16xi32>
      %add3A_188 = arith.addi %scan3A_175, %select_n3A_187 : vector<16xi32>
      scf.yield %add3A_188 : vector<16xi32>
    }
    %scan3A_20 = arith.constant 128 : i32
    %swap3A = arith.constant 0 : index
    %swap3A_21 = tpu.vector_load %arg9[%swap3A] {strides = array<i32>} : memref<16xi32, #tpu.memory_space<vmem>>, vector<16xi32>,
    tpu.vector_store %arg9[%swap3A], %scan3A_19 {strides = array<i32>} : memref<16xi32, #tpu.memory_space<vmem>>, vector<16xi32>,
    %xor3A = arith.constant 1 : i32
    %xor3A_22 = vector.broadcast %xor3A : i32 to vector<16xi32>
    %xor3A_23 = arith.xori %iota3A, %xor3A_22 : vector<16xi32>
    %gather3A = tpu.vector_load_idx %arg9[%xor3A_23] : memref<16xi32, #tpu.memory_space<vmem>>[vector<16xi32>], vector<16xi32>,
    %add3A_24 = arith.addi %scan3A_19, %gather3A : vector<16xi32>
    %swap3A_25 = arith.constant 0 : index
    %swap3A_26 = tpu.vector_load %arg9[%swap3A_25] {strides = array<i32>} : memref<16xi32, #tpu.memory_space<vmem>>, vector<16xi32>,
    tpu.vector_store %arg9[%swap3A_25], %add3A_24 {strides = array<i32>} : memref<16xi32, #tpu.memory_space<vmem>>, vector<16xi32>,
    %xor3A_27 = arith.constant 2 : i32
    %xor3A_28 = vector.broadcast %xor3A_27 : i32 to vector<16xi32>
    %xor3A_29 = arith.xori %iota3A, %xor3A_28 : vector<16xi32>
    %gather3A_30 = tpu.vector_load_idx %arg9[%xor3A_29] : memref<16xi32, #tpu.memory_space<vmem>>[vector<16xi32>], vector<16xi32>,
    %add3A_31 = arith.addi %add3A_24, %gather3A_30 : vector<16xi32>
    %swap3A_32 = arith.constant 0 : index
    %swap3A_33 = tpu.vector_load %arg9[%swap3A_32] {strides = array<i32>} : memref<16xi32, #tpu.memory_space<vmem>>, vector<16xi32>,
    tpu.vector_store %arg9[%swap3A_32], %add3A_31 {strides = array<i32>} : memref<16xi32, #tpu.memory_space<vmem>>, vector<16xi32>,
    %xor3A_34 = arith.constant 4 : i32
    %xor3A_35 = vector.broadcast %xor3A_34 : i32 to vector<16xi32>
    %xor3A_36 = arith.xori %iota3A, %xor3A_35 : vector<16xi32>
    %gather3A_37 = tpu.vector_load_idx %arg9[%xor3A_36] : memref<16xi32, #tpu.memory_space<vmem>>[vector<16xi32>], vector<16xi32>,
    %add3A_38 = arith.addi %add3A_31, %gather3A_37 : vector<16xi32>
    %swap3A_39 = arith.constant 0 : index
    %swap3A_40 = tpu.vector_load %arg9[%swap3A_39] {strides = array<i32>} : memref<16xi32, #tpu.memory_space<vmem>>, vector<16xi32>,
    tpu.vector_store %arg9[%swap3A_39], %add3A_38 {strides = array<i32>} : memref<16xi32, #tpu.memory_space<vmem>>, vector<16xi32>,
    %xor3A_41 = arith.constant 8 : i32
    %xor3A_42 = vector.broadcast %xor3A_41 : i32 to vector<16xi32>
    %xor3A_43 = arith.xori %iota3A, %xor3A_42 : vector<16xi32>
    %gather3A_44 = tpu.vector_load_idx %arg9[%xor3A_43] : memref<16xi32, #tpu.memory_space<vmem>>[vector<16xi32>], vector<16xi32>,
    %add3A_45 = arith.addi %add3A_38, %gather3A_44 : vector<16xi32>
    %gt3A = arith.constant 0 : i32
    %gt3A_46 = vector.broadcast %gt3A : i32 to vector<16xi32>
    %gt3A_47 = arith.cmpi sgt, %add3A_45, %gt3A_46 : vector<16xi32>
    %broadcast_in_dim3A_48 = arith.constant 0.000000e+00 : f32
    %broadcast_in_dim3A_49 = vector.broadcast %broadcast_in_dim3A_48 : f32 to vector<16xf32>
    %broadcast_in_dim3A_50 = arith.constant 0 : i32
    %broadcast_in_dim3A_51 = vector.broadcast %broadcast_in_dim3A_50 : i32 to vector<16xi32>
    %and3A = arith.constant 7 : i32
    %and3A_52 = vector.broadcast %and3A : i32 to vector<16xi32>
    %and3A_53 = arith.andi %iota3A, %and3A_52 : vector<16xi32>
    %get3A = arith.constant 0 : index
    %get3A_54 = tpu.vector_load %arg5[%get3A] {strides = array<i32>} : memref<64xi32, #tpu.memory_space<vmem>>, vector<16xi32>,
    %and3A_55 = arith.constant 127 : i32
    %and3A_56 = vector.broadcast %and3A_55 : i32 to vector<16xi32>
    %and3A_57 = arith.andi %get3A_54, %and3A_56 : vector<16xi32>
    %add3A_58 = arith.constant 0 : i32
    %add3A_59 = vector.broadcast %add3A_58 : i32 to vector<16xi32>
    %add3A_60 = arith.addi %add3A_59, %iota3A : vector<16xi32>
    %gather3A_61 = tpu.vector_load_idx %arg6[%add3A_60, %and3A_53, %and3A_57] : memref<64x8x128xf32, #tpu.memory_space<vmem>>[vector<16xi32>, vector<16xi32>, vector<16xi32>], vector<16xf32>,
    %ne3A = arith.constant 0 : i32
    %ne3A_62 = vector.broadcast %ne3A : i32 to vector<16xi32>
    %ne3A_63 = arith.cmpi ne, %get3A_54, %ne3A_62 : vector<16xi32>
    %jit3A = arith.constant 0.000000e+00 : f32
    %broadcast_in_dim3A_64 = vector.broadcast %jit3A : f32 to vector<16xf32>
    %select_n3A = arith.select %ne3A_63, %gather3A_61, %broadcast_in_dim3A_64 : vector<16xi1>, vector<16xf32>
    %add3A_65 = arith.addf %broadcast_in_dim3A_49, %select_n3A : vector<16xf32>
    %jit3A_66 = arith.constant 1.000000e+00 : f32
    %jit3A_67 = arith.constant 0.000000e+00 : f32
    %broadcast_in_dim3A_68 = vector.broadcast %jit3A_66 : f32 to vector<16xf32>
    %broadcast_in_dim3A_69 = vector.broadcast %jit3A_67 : f32 to vector<16xf32>
    %select_n3A_70 = arith.select %ne3A_63, %broadcast_in_dim3A_68, %broadcast_in_dim3A_69 : vector<16xi1>, vector<16xf32>
    %add3A_71 = arith.addf %broadcast_in_dim3A_49, %select_n3A_70 : vector<16xf32>
    %get3A_72 = arith.constant 16 : index
    %get3A_73 = tpu.vector_load %arg5[%get3A_72] {strides = array<i32>} : memref<64xi32, #tpu.memory_space<vmem>>, vector<16xi32>,
    %and3A_74 = arith.constant 127 : i32
    %and3A_75 = vector.broadcast %and3A_74 : i32 to vector<16xi32>
    %and3A_76 = arith.andi %get3A_73, %and3A_75 : vector<16xi32>
    %add3A_77 = arith.constant 16 : i32
    %add3A_78 = vector.broadcast %add3A_77 : i32 to vector<16xi32>
    %add3A_79 = arith.addi %add3A_78, %iota3A : vector<16xi32>
    %gather3A_80 = tpu.vector_load_idx %arg6[%add3A_79, %and3A_53, %and3A_76] : memref<64x8x128xf32, #tpu.memory_space<vmem>>[vector<16xi32>, vector<16xi32>, vector<16xi32>], vector<16xf32>,
    %ne3A_81 = arith.constant 0 : i32
    %ne3A_82 = vector.broadcast %ne3A_81 : i32 to vector<16xi32>
    %ne3A_83 = arith.cmpi ne, %get3A_73, %ne3A_82 : vector<16xi32>
    %jit3A_84 = arith.constant 0.000000e+00 : f32
    %broadcast_in_dim3A_85 = vector.broadcast %jit3A_84 : f32 to vector<16xf32>
    %select_n3A_86 = arith.select %ne3A_83, %gather3A_80, %broadcast_in_dim3A_85 : vector<16xi1>, vector<16xf32>
    %add3A_87 = arith.addf %add3A_65, %select_n3A_86 : vector<16xf32>
    %jit3A_88 = arith.constant 1.000000e+00 : f32
    %jit3A_89 = arith.constant 0.000000e+00 : f32
    %broadcast_in_dim3A_90 = vector.broadcast %jit3A_88 : f32 to vector<16xf32>
    %broadcast_in_dim3A_91 = vector.broadcast %jit3A_89 : f32 to vector<16xf32>
    %select_n3A_92 = arith.select %ne3A_83, %broadcast_in_dim3A_90, %broadcast_in_dim3A_91 : vector<16xi1>, vector<16xf32>
    %add3A_93 = arith.addf %add3A_71, %select_n3A_92 : vector<16xf32>
    %get3A_94 = arith.constant 32 : index
    %get3A_95 = tpu.vector_load %arg5[%get3A_94] {strides = array<i32>} : memref<64xi32, #tpu.memory_space<vmem>>, vector<16xi32>,
    %and3A_96 = arith.constant 127 : i32
    %and3A_97 = vector.broadcast %and3A_96 : i32 to vector<16xi32>
    %and3A_98 = arith.andi %get3A_95, %and3A_97 : vector<16xi32>
    %add3A_99 = arith.constant 32 : i32
    %add3A_100 = vector.broadcast %add3A_99 : i32 to vector<16xi32>
    %add3A_101 = arith.addi %add3A_100, %iota3A : vector<16xi32>
    %gather3A_102 = tpu.vector_load_idx %arg6[%add3A_101, %and3A_53, %and3A_98] : memref<64x8x128xf32, #tpu.memory_space<vmem>>[vector<16xi32>, vector<16xi32>, vector<16xi32>], vector<16xf32>,
    %ne3A_103 = arith.constant 0 : i32
    %ne3A_104 = vector.broadcast %ne3A_103 : i32 to vector<16xi32>
    %ne3A_105 = arith.cmpi ne, %get3A_95, %ne3A_104 : vector<16xi32>
    %jit3A_106 = arith.constant 0.000000e+00 : f32
    %broadcast_in_dim3A_107 = vector.broadcast %jit3A_106 : f32 to vector<16xf32>
    %select_n3A_108 = arith.select %ne3A_105, %gather3A_102, %broadcast_in_dim3A_107 : vector<16xi1>, vector<16xf32>
    %add3A_109 = arith.addf %add3A_87, %select_n3A_108 : vector<16xf32>
    %jit3A_110 = arith.constant 1.000000e+00 : f32
    %jit3A_111 = arith.constant 0.000000e+00 : f32
    %broadcast_in_dim3A_112 = vector.broadcast %jit3A_110 : f32 to vector<16xf32>
    %broadcast_in_dim3A_113 = vector.broadcast %jit3A_111 : f32 to vector<16xf32>
    %select_n3A_114 = arith.select %ne3A_105, %broadcast_in_dim3A_112, %broadcast_in_dim3A_113 : vector<16xi1>, vector<16xf32>
    %add3A_115 = arith.addf %add3A_93, %select_n3A_114 : vector<16xf32>
    %get3A_116 = arith.constant 48 : index
    %get3A_117 = tpu.vector_load %arg5[%get3A_116] {strides = array<i32>} : memref<64xi32, #tpu.memory_space<vmem>>, vector<16xi32>,
    %and3A_118 = arith.constant 127 : i32
    %and3A_119 = vector.broadcast %and3A_118 : i32 to vector<16xi32>
    %and3A_120 = arith.andi %get3A_117, %and3A_119 : vector<16xi32>
    %add3A_121 = arith.constant 48 : i32
    %add3A_122 = vector.broadcast %add3A_121 : i32 to vector<16xi32>
    %add3A_123 = arith.addi %add3A_122, %iota3A : vector<16xi32>
    %gather3A_124 = tpu.vector_load_idx %arg6[%add3A_123, %and3A_53, %and3A_120] : memref<64x8x128xf32, #tpu.memory_space<vmem>>[vector<16xi32>, vector<16xi32>, vector<16xi32>], vector<16xf32>,
    %ne3A_125 = arith.constant 0 : i32
    %ne3A_126 = vector.broadcast %ne3A_125 : i32 to vector<16xi32>
    %ne3A_127 = arith.cmpi ne, %get3A_117, %ne3A_126 : vector<16xi32>
    %jit3A_128 = arith.constant 0.000000e+00 : f32
    %broadcast_in_dim3A_129 = vector.broadcast %jit3A_128 : f32 to vector<16xf32>
    %select_n3A_130 = arith.select %ne3A_127, %gather3A_124, %broadcast_in_dim3A_129 : vector<16xi1>, vector<16xf32>
    %add3A_131 = arith.addf %add3A_109, %select_n3A_130 : vector<16xf32>
    %jit3A_132 = arith.constant 1.000000e+00 : f32
    %jit3A_133 = arith.constant 0.000000e+00 : f32
    %broadcast_in_dim3A_134 = vector.broadcast %jit3A_132 : f32 to vector<16xf32>
    %broadcast_in_dim3A_135 = vector.broadcast %jit3A_133 : f32 to vector<16xf32>
    %select_n3A_136 = arith.select %ne3A_127, %broadcast_in_dim3A_134, %broadcast_in_dim3A_135 : vector<16xi1>, vector<16xf32>
    %add3A_137 = arith.addf %add3A_115, %select_n3A_136 : vector<16xf32>
    %eq3A = arith.constant 0 : i32
    %eq3A_138 = vector.broadcast %eq3A : i32 to vector<16xi32>
    %eq3A_139 = arith.cmpi eq, %iota3A, %eq3A_138 : vector<16xi32>
    %ne3A_140 = arith.constant 0 : i32
    %ne3A_141 = vector.broadcast %ne3A_140 : i32 to vector<16xi32>
    %ne3A_142 = arith.cmpi ne, %get3A_54, %ne3A_141 : vector<16xi32>
    %and3A_143 = arith.andi %eq3A_139, %ne3A_142 : vector<16xi1>
    %eq3A_144 = arith.constant 1 : i32
    %eq3A_145 = vector.broadcast %eq3A_144 : i32 to vector<16xi32>
    %eq3A_146 = arith.cmpi eq, %iota3A, %eq3A_145 : vector<16xi32>
    %ne3A_147 = arith.constant 0 : i32
    %ne3A_148 = vector.broadcast %ne3A_147 : i32 to vector<16xi32>
    %ne3A_149 = arith.cmpi ne, %get3A_54, %ne3A_148 : vector<16xi32>
    %and3A_150 = arith.andi %eq3A_146, %ne3A_149 : vector<16xi1>
    %and3A_151 = arith.andi %and3A_150, %gt3A_47 : vector<16xi1>
    %or3A = arith.ori %and3A_143, %and3A_151 : vector<16xi1>
    %eq3A_152 = arith.constant 0 : i32
    %eq3A_153 = arith.cmpi eq, %add3A, %eq3A_152 : i32
    %and3A_154 = vector.broadcast %eq3A_153 : i1 to vector<16xi1>
    %and3A_155 = arith.andi %or3A, %and3A_154 : vector<16xi1>
    %jit3A_156 = arith.constant 0.000000e+00 : f32
    %broadcast_in_dim3A_157 = vector.broadcast %jit3A_156 : f32 to vector<16xf32>
    %select_n3A_158 = arith.select %and3A_155, %gather3A_61, %broadcast_in_dim3A_157 : vector<16xi1>, vector<16xf32>
    %sub3A = arith.subf %add3A_131, %select_n3A_158 : vector<16xf32>
    %jit3A_159 = arith.constant 1.000000e+00 : f32
    %jit3A_160 = arith.constant 0.000000e+00 : f32
    %broadcast_in_dim3A_161 = vector.broadcast %jit3A_159 : f32 to vector<16xf32>
    %broadcast_in_dim3A_162 = vector.broadcast %jit3A_160 : f32 to vector<16xf32>
    %select_n3A_163 = arith.select %and3A_155, %broadcast_in_dim3A_161, %broadcast_in_dim3A_162 : vector<16xi1>, vector<16xf32>
    %sub3A_164 = arith.subf %add3A_137, %select_n3A_163 : vector<16xf32>
    %mul3A_165 = arith.constant -1.3624258 : f32
    %mul3A_166 = vector.broadcast %mul3A_165 : f32 to vector<16xf32>
    %mul3A_167 = arith.mulf %mul3A_166, %sub3A_164 : vector<16xf32>
    %mul3A_168 = arith.constant 0.899996876 : f32
    %mul3A_169 = vector.broadcast %mul3A_168 : f32 to vector<16xf32>
    %mul3A_170 = arith.mulf %mul3A_169, %sub3A : vector<16xf32>
    %sub3A_171 = arith.subf %mul3A_167, %mul3A_170 : vector<16xf32>
    %swap3A_172 = arith.constant 0 : index
    %swap3A_173 = tpu.vector_load %arg8[%swap3A_172] {strides = array<i32>} : memref<16xf32, #tpu.memory_space<vmem>>, vector<16xf32>,
    tpu.vector_store %arg8[%swap3A_172], %sub3A_171 {strides = array<i32>} : memref<16xf32, #tpu.memory_space<vmem>>, vector<16xf32>,
    "tpu.region"() ({
      %run_scoped3A = tpu.sem_alloc : memref<!tpu.dma_semaphore, #tpu.memory_space<semaphore_mem>>
      %dma_start3A = arith.constant 0 : i32
      %dma_start3A_174 = tpu.memref_slice %arg4[%add3A, %dma_start3A] : memref<32x16xf32, #tpu.memory_space<hbm>> -> memref<1x16xf32, #tpu.memory_space<hbm>>
      %dma_start3A_175 = tpu.memref_squeeze %dma_start3A_174 : memref<1x16xf32, #tpu.memory_space<hbm>> -> memref<16xf32, #tpu.memory_space<hbm>>
      %dma_start3A_176 = arith.constant 0 : i32
      %dma_start3A_177 = tpu.memref_slice %arg4[%add3A, %dma_start3A_176] : memref<32x16xf32, #tpu.memory_space<hbm>> -> memref<1x16xf32, #tpu.memory_space<hbm>>
      %dma_start3A_178 = tpu.memref_squeeze %dma_start3A_177 : memref<1x16xf32, #tpu.memory_space<hbm>> -> memref<16xf32, #tpu.memory_space<hbm>>
      tpu.enqueue_dma source(%arg8 : memref<16xf32, #tpu.memory_space<vmem>>) target(%dma_start3A_178 : memref<16xf32, #tpu.memory_space<hbm>>) target_semaphore(%run_scoped3A : memref<!tpu.dma_semaphore, #tpu.memory_space<semaphore_mem>>)
      %dma_wait3A = arith.constant 0 : i32
      %dma_wait3A_179 = tpu.memref_slice %arg4[%add3A, %dma_wait3A] : memref<32x16xf32, #tpu.memory_space<hbm>> -> memref<1x16xf32, #tpu.memory_space<hbm>>
      %dma_wait3A_180 = tpu.memref_squeeze %dma_wait3A_179 : memref<1x16xf32, #tpu.memory_space<hbm>> -> memref<16xf32, #tpu.memory_space<hbm>>
      %dma_wait3A_181 = arith.constant 0 : i32
      %dma_wait3A_182 = tpu.memref_slice %arg4[%add3A, %dma_wait3A_181] : memref<32x16xf32, #tpu.memory_space<hbm>> -> memref<1x16xf32, #tpu.memory_space<hbm>>
      %dma_wait3A_183 = tpu.memref_squeeze %dma_wait3A_182 : memref<1x16xf32, #tpu.memory_space<hbm>> -> memref<16xf32, #tpu.memory_space<hbm>>
      tpu.wait_dma2 semaphore(%run_scoped3A : memref<!tpu.dma_semaphore, #tpu.memory_space<semaphore_mem>>) src(%arg8 : memref<16xf32, #tpu.memory_space<vmem>>) dst(%dma_wait3A_183 : memref<16xf32, #tpu.memory_space<hbm>>)
      tpu.yield
    }) : () -> ()
    return
  }
}

module attributes {stable_mosaic.version = 14 : i64} {
  func.func @_tc_body(%arg0: i32, %arg1: i32, %arg2: memref<128x1xi32, #tpu.memory_space<vmem>>, %arg3: memref<1x2048xi32, #tpu.memory_space<vmem>>, %arg4: memref<128x16000xf32, #tpu.memory_space<vmem>>, %arg5: memref<1x1xf32, #tpu.memory_space<vmem>>) attributes {dimension_semantics = [#tpu.dimension_semantics<arbitrary>, #tpu.dimension_semantics<arbitrary>], iteration_bounds = array<i64: 16, 2>, scalar_prefetch = 0 : i64, scratch_operands = 0 : i64, tpu.core_type = #tpu.core_type<tc>, window_params = [{transform_indices = @transform_0, window_bounds = array<i64: 128, 1>}, {pipeline_mode = #tpu.pipeline_mode<synchronous>, transform_indices = @transform_1, window_bounds = array<i64: 1, 2048>}, {transform_indices = @transform_2, window_bounds = array<i64: 128, 16000>}, {pipeline_mode = #tpu.pipeline_mode<synchronous>, transform_indices = @transform_3, window_bounds = array<i64: 1, 1>}]} {
    %get3A = arith.constant 0 : index
    %get3A_0 = arith.constant 0 : index
    %get3A_1 = vector.load %arg4[%get3A, %get3A_0] : memref<128x16000xf32, #tpu.memory_space<vmem>>, vector<128x16000xf32>
    %get3A_2 = arith.constant 0 : index
    %get3A_3 = arith.constant 0 : index
    %get3A_4 = vector.load %arg2[%get3A_2, %get3A_3] : memref<128x1xi32, #tpu.memory_space<vmem>>, vector<128x1xi32>
    %get3A_5 = arith.constant 0 : index
    %get3A_6 = arith.constant 0 : index
    %get3A_7 = vector.load %arg3[%get3A_5, %get3A_6] : memref<1x2048xi32, #tpu.memory_space<vmem>>, vector<1x2048xi32>
    %ne3A = arith.constant 0 : i32
    %ne3A_8 = vector.broadcast %ne3A : i32 to vector<1x2048xi32>
    %ne3A_9 = arith.cmpi ne, %get3A_7, %ne3A_8 : vector<1x2048xi32>
    %reduce_or3A = arith.constant 1.000000e+00 : f32
    %reduce_or3A_10 = arith.constant 0.000000e+00 : f32
    %reduce_or3A_11 = vector.broadcast %reduce_or3A : f32 to vector<1x2048xf32>
    %reduce_or3A_12 = vector.broadcast %reduce_or3A_10 : f32 to vector<1x2048xf32>
    %reduce_or3A_13 = arith.select %ne3A_9, %reduce_or3A_11, %reduce_or3A_12 : vector<1x2048xi1>, vector<1x2048xf32>
    %reduce_or3A_14 = vector.shape_cast %reduce_or3A_13 : vector<1x2048xf32> to vector<1x1x2048xf32>
    %reduce_or3A_15 = arith.constant dense<0xFF800000> : vector<1xf32>
    %reduce_or3A_16 = vector.multi_reduction <maximumf>, %reduce_or3A_14, %reduce_or3A_15 [1, 2] : vector<1x1x2048xf32> to vector<1xf32>
    %reduce_or3A_17 = vector.shape_cast %reduce_or3A_16 : vector<1xf32> to vector<1x1x1xf32>
    %reduce_or3A_18 = vector.extract %reduce_or3A_17[0, 0, 0] : f32 from vector<1x1x1xf32>
    %reduce_or3A_19 = arith.constant 0.000000e+00 : f32
    %reduce_or3A_20 = arith.cmpf ogt, %reduce_or3A_18, %reduce_or3A_19 : f32
    %eq3A = arith.constant 0 : i32
    %eq3A_21 = vector.broadcast %eq3A : i32 to vector<1x2048xi32>
    %eq3A_22 = arith.cmpi eq, %get3A_7, %eq3A_21 : vector<1x2048xi32>
    %reduce_or3A_23 = arith.constant 1.000000e+00 : f32
    %reduce_or3A_24 = arith.constant 0.000000e+00 : f32
    %reduce_or3A_25 = vector.broadcast %reduce_or3A_23 : f32 to vector<1x2048xf32>
    %reduce_or3A_26 = vector.broadcast %reduce_or3A_24 : f32 to vector<1x2048xf32>
    %reduce_or3A_27 = arith.select %eq3A_22, %reduce_or3A_25, %reduce_or3A_26 : vector<1x2048xi1>, vector<1x2048xf32>
    %reduce_or3A_28 = vector.shape_cast %reduce_or3A_27 : vector<1x2048xf32> to vector<1x1x2048xf32>
    %reduce_or3A_29 = arith.constant dense<0xFF800000> : vector<1xf32>
    %reduce_or3A_30 = vector.multi_reduction <maximumf>, %reduce_or3A_28, %reduce_or3A_29 [1, 2] : vector<1x1x2048xf32> to vector<1xf32>
    %reduce_or3A_31 = vector.shape_cast %reduce_or3A_30 : vector<1xf32> to vector<1x1x1xf32>
    %reduce_or3A_32 = vector.extract %reduce_or3A_31[0, 0, 0] : f32 from vector<1x1x1xf32>
    %reduce_or3A_33 = arith.constant 0.000000e+00 : f32
    %reduce_or3A_34 = arith.cmpf ogt, %reduce_or3A_32, %reduce_or3A_33 : f32
    %iota3A = tpu.iota {dimensions = array<i32: 0>} : vector<128x1xi32>
    %mul3A = arith.constant 128 : i32
    %mul3A_35 = arith.muli %arg0, %mul3A : i32
    %add3A = vector.broadcast %mul3A_35 : i32 to vector<128x1xi32>
    %add3A_36 = arith.addi %iota3A, %add3A : vector<128x1xi32>
    %ne3A_37 = arith.constant 0 : i32
    %ne3A_38 = vector.broadcast %ne3A_37 : i32 to vector<128x1xi32>
    %ne3A_39 = arith.cmpi ne, %get3A_4, %ne3A_38 : vector<128x1xi32>
    %eq3A_40 = arith.constant 0 : i32
    %eq3A_41 = vector.broadcast %eq3A_40 : i32 to vector<128x1xi32>
    %eq3A_42 = arith.cmpi eq, %add3A_36, %eq3A_41 : vector<128x1xi32>
    %and3A = vector.broadcast %reduce_or3A_20 : i1 to vector<128x1xi1>
    %and3A_43 = arith.andi %eq3A_42, %and3A : vector<128x1xi1>
    %not3A = arith.constant dense<true> : vector<128x1xi1>
    %not3A_44 = arith.xori %and3A_43, %not3A : vector<128x1xi1>
    %and3A_45 = arith.andi %ne3A_39, %not3A_44 : vector<128x1xi1>
    %eq3A_46 = arith.constant 1 : i32
    %eq3A_47 = vector.broadcast %eq3A_46 : i32 to vector<128x1xi32>
    %eq3A_48 = arith.cmpi eq, %add3A_36, %eq3A_47 : vector<128x1xi32>
    %and3A_49 = vector.broadcast %reduce_or3A_34 : i1 to vector<128x1xi1>
    %and3A_50 = arith.andi %eq3A_48, %and3A_49 : vector<128x1xi1>
    %not3A_51 = arith.constant dense<true> : vector<128x1xi1>
    %not3A_52 = arith.xori %and3A_50, %not3A_51 : vector<128x1xi1>
    %and3A_53 = arith.andi %and3A_45, %not3A_52 : vector<128x1xi1>
    %convert_element_type3A = arith.extui %and3A_53 : vector<128x1xi1> to vector<128x1xi32>
    %convert_element_type3A_54 = arith.sitofp %convert_element_type3A : vector<128x1xi32> to vector<128x1xf32>
    %reduce_sum3A = arith.constant dense<0.000000e+00> : vector<128xf32>
    %reduce_sum3A_55 = vector.multi_reduction <add>, %get3A_1, %reduce_sum3A [1] : vector<128x16000xf32> to vector<128xf32>
    %broadcast_in_dim3A = vector.shape_cast %reduce_sum3A_55 : vector<128xf32> to vector<128x1xf32>
    %mul3A_56 = arith.mulf %convert_element_type3A_54, %broadcast_in_dim3A : vector<128x1xf32>
    %reduce_sum3A_57 = vector.shape_cast %mul3A_56 : vector<128x1xf32> to vector<1x128x1xf32>
    %reduce_sum3A_58 = arith.constant dense<0.000000e+00> : vector<1xf32>
    %reduce_sum3A_59 = vector.multi_reduction <add>, %reduce_sum3A_57, %reduce_sum3A_58 [1, 2] : vector<1x128x1xf32> to vector<1xf32>
    %reduce_sum3A_60 = vector.shape_cast %reduce_sum3A_59 : vector<1xf32> to vector<1x1x1xf32>
    %reduce_sum3A_61 = vector.extract %reduce_sum3A_60[0, 0, 0] : f32 from vector<1x1x1xf32>
    %mul3A_62 = arith.constant -3.12519524E-6 : f32
    %mul3A_63 = arith.mulf %mul3A_62, %reduce_sum3A_61 : f32
    %eq3A_64 = arith.constant 0 : i32
    %eq3A_65 = arith.cmpi eq, %arg1, %eq3A_64 : i32
    %slice3A = vector.extract_strided_slice %get3A_1 {offsets = [0, 0], sizes = [128, 1], strides = [1, 1]} : vector<128x16000xf32> to vector<128x1xf32>
    %mul3A_66 = arith.mulf %convert_element_type3A_54, %slice3A : vector<128x1xf32>
    %reduce_sum3A_67 = vector.shape_cast %mul3A_66 : vector<128x1xf32> to vector<1x128x1xf32>
    %reduce_sum3A_68 = arith.constant dense<0.000000e+00> : vector<1xf32>
    %reduce_sum3A_69 = vector.multi_reduction <add>, %reduce_sum3A_67, %reduce_sum3A_68 [1, 2] : vector<1x128x1xf32> to vector<1xf32>
    %reduce_sum3A_70 = vector.shape_cast %reduce_sum3A_69 : vector<1xf32> to vector<1x1x1xf32>
    %reduce_sum3A_71 = vector.extract %reduce_sum3A_70[0, 0, 0] : f32 from vector<1x1x1xf32>
    %mul3A_72 = arith.constant 3.12519524E-6 : f32
    %mul3A_73 = arith.mulf %mul3A_72, %reduce_sum3A_71 : f32
    %jit3A = arith.constant 0.000000e+00 : f32
    %select_n3A = arith.select %eq3A_65, %mul3A_73, %jit3A : f32
    %add3A_74 = arith.addf %mul3A_63, %select_n3A : f32
    %eq3A_75 = arith.constant 0 : i32
    %eq3A_76 = arith.cmpi eq, %arg0, %eq3A_75 : i32
    %eq3A_77 = arith.constant 0 : i32
    %eq3A_78 = arith.cmpi eq, %arg1, %eq3A_77 : i32
    %and3A_79 = arith.andi %eq3A_76, %eq3A_78 : i1
    %convert_element_type3A_80 = arith.extui %and3A_79 : i1 to i32
    %cond3A = arith.constant 0 : i32
    %cond3A_81 = arith.cmpi ne, %convert_element_type3A_80, %cond3A : i32
    scf.if %cond3A_81 {
      %reshape3A = vector.broadcast %add3A_74 : f32 to vector<1x1xf32>
      %swap3A = arith.constant 0 : index
      %swap3A_87 = arith.constant 0 : index
      %swap3A_88 = vector.load %arg5[%swap3A, %swap3A_87] : memref<1x1xf32, #tpu.memory_space<vmem>>, vector<1x1xf32>
      tpu.vector_store %arg5[%swap3A, %swap3A_87], %reshape3A {strides = array<i32>} : memref<1x1xf32, #tpu.memory_space<vmem>>, vector<1x1xf32>,
    } else {
    }
    %not3A_82 = arith.constant true
    %not3A_83 = arith.xori %and3A_79, %not3A_82 : i1
    %convert_element_type3A_84 = arith.extui %not3A_83 : i1 to i32
    %cond3A_85 = arith.constant 0 : i32
    %cond3A_86 = arith.cmpi ne, %convert_element_type3A_84, %cond3A_85 : i32
    scf.if %cond3A_86 {
      %get3A_87 = arith.constant 0 : index
      %get3A_88 = arith.constant 0 : index
      %get3A_89 = vector.load %arg5[%get3A_87, %get3A_88] : memref<1x1xf32, #tpu.memory_space<vmem>>, vector<1x1xf32>
      %add3A_90 = vector.broadcast %add3A_74 : f32 to vector<1x1xf32>
      %add3A_91 = arith.addf %get3A_89, %add3A_90 : vector<1x1xf32>
      %swap3A = arith.constant 0 : index
      %swap3A_92 = arith.constant 0 : index
      %swap3A_93 = vector.load %arg5[%swap3A, %swap3A_92] : memref<1x1xf32, #tpu.memory_space<vmem>>, vector<1x1xf32>
      tpu.vector_store %arg5[%swap3A, %swap3A_92], %add3A_91 {strides = array<i32>} : memref<1x1xf32, #tpu.memory_space<vmem>>, vector<1x1xf32>,
    } else {
    }
    return
  }
  func.func @transform_0(%arg0: i32, %arg1: i32) -> (i32, i32) {
    %c0_i32 = arith.constant 0 : i32
    %c0_i32_0 = arith.constant 0 : i32
    return %arg0, %c0_i32 : i32, i32
  }
  func.func @transform_1(%arg0: i32, %arg1: i32) -> (i32, i32) {
    %c0_i32 = arith.constant 0 : i32
    %c0_i32_0 = arith.constant 0 : i32
    %c0_i32_1 = arith.constant 0 : i32
    return %c0_i32, %c0_i32_0 : i32, i32
  }
  func.func @transform_2(%arg0: i32, %arg1: i32) -> (i32, i32) {
    %c0_i32 = arith.constant 0 : i32
    return %arg0, %arg1 : i32, i32
  }
  func.func @transform_3(%arg0: i32, %arg1: i32) -> (i32, i32) {
    %c0_i32 = arith.constant 0 : i32
    %c0_i32_0 = arith.constant 0 : i32
    %c0_i32_1 = arith.constant 0 : i32
    return %c0_i32, %c0_i32_0 : i32, i32
  }
}

</mosaic_0001>

<sc_bundles>
// kernel: kernel.4.cloned.1.call-start
scs
__scs_entry_jumppad:
0x0: {  	(pc) =	sbr.rel $0x88, $3  }
0x1: {  	(tag) =	ssettag $0x0;
	lr =	simm.s32 $0x1  }
0x2: {  	[smem:$0x3F9F] =	sst lr;
	_ =	strace $0xD0000000  }
0x3: {  	_ = 	snop  }
0x4: {  	_ = 	snop  }
0x5: {  	_ = 	snop  }
0x6: {  	_ = 	snop  }
0x7: {  	_ = 	snop  }
__scs_overlays_trampoline_lowered:
0x8: {  	[smem:$0x3FAE] =	sst s0  }
0x9: {  	[smem:$0x3FAF] =	sst s1  }
0xa: {  	[smem:$0x3FB0] =	sst s2  }
0xb: {  	[smem:$0x3FB1] =	sst s3  }
0xc: {  	[smem:$0x3FB2] =	sst s4  }
0xd: {  	[smem:$0x3FB3] =	sst s5  }
0xe: {  	[smem:$0x3FB4] =	sst s6  }
0xf: {  	[smem:$0x3FB5] =	sst s7  }
0x10: {  	[smem:$0x3FB6] =	sst s8  }
0x11: {  	[smem:$0x3FB7] =	sst s9;
	s0 =	simm.s32 @!p0 $0x0  }
0x12: {  	s1 =	sld [smem:$0x3F9D];
	s0 =	simm.s32 @p0 $0x1  }
0x13: {  	[smem:$0x3FB8] =	sst s0;
	s0 =	simm.s32 @!p1 $0x0  }
0x14: {  	s2 =	sld [smem:$0x3F9C];
	s0 =	simm.s32 @p1 $0x1  }
0x15: {  	[smem:$0x3FB9] =	sst s0;
	s0 =	simm.s32 @!p2 $0x0  }
0x16: {  	s3 =	sld [smem:$0x3FDB];
	s0 =	simm.s32 @p2 $0x1  }
0x17: {  	s4 =	simm.s32 $0x1BF5;
	[smem:$0x3FBB] =	sst s0  }
0x18: {  	s0 =	sld [smem:$0x3F9E];
	_ =	swait.ge [sflag:s4], $0x0  }
0x19: {  	s7 =	sld [smem:$0x3F9F]  }
0x1a: {  	s8 =	sadd.s32 $0xFFFFE003, lr  }
0x1b: {  	s9 =	sadd.s32 $0xFFFFFEF7, lr;
	s5 =	simm.s32 $0xFFFFFFFF;
	p2 =	slt.u32 s8, $0xFFFFF086  }
0x1c: {  	p1 =	slt.u32 s9, $0xF7A;
	s5 =	simm.s32 @!p2 $0x0  }
0x1d: {  	s5 =	simm.s32 @p1 $0x1;
	p0 =	seq.s32 s7, s2  }
0x1e: {  	s7 =	smul.u32 @!p0 $0xF7A, s2;
	p2 =	seq.s32 @!p0 s5, $0x0  }
0x1f: {  	s9 =	smul.u32 $0xF7A, s1;
	s8 =	simm.s32 @!p0 $0x1BF5;
	p2 =	por !p2, p0  }
0x20: {  	[sflag:s8] =	ssyncset.s32 @!p0 $0xFFFFF086;
	s6 =	sadd.s32 @!p0 s3, s7;
	s7 =	simm.s32 @!p0 $0x108  }
0x21: {  	s3 =	sadd.s32 s3, s9;
	s6 =	sadd.s32 @!p0 $0x88, s6;
	s7 =	simm.s32 @p2 $0x1082  }
0x22: {  	[simem:s7], [sflag:s8] =	dma.local @!p0 [hbm:s6], $0xF7A  }
0x23: {  	s9 =	sor.u32 $0xD0000000, s2;
	s6 =	simm.s32 $0x108;
	_ =	swait.ge @!p0 [sflag:s8], $0x0  }
0x24: {  	s3 =	sadd.s32 $0x88, s3;
	s6 =	simm.s32 @!p1 $0x1082;
	[sflag:s4] =	ssyncset.s32 $0xFFFFF086  }
0x25: {  	[simem:s6], [sflag:s4] =	dma.local [hbm:s3], $0xF7A  }
0x26: {  	[smem:$0x3F9F] =	sst s1;
	(tag) =	ssettag s2;
	_ =	strace s9  }
0x27: {  	s1 =	sld [smem:$0x3FAF]  }
0x28: {  	s2 =	sld [smem:$0x3FB0]  }
0x29: {  	s4 =	sld [smem:$0x3FB2]  }
0x2a: {  	p0 =	seq.s32 s5, $0x0;
	s5 =	sld [smem:$0x3FB3]  }
0x2b: {  	s6 =	sld [smem:$0x3FB4]  }
0x2c: {  	s7 =	sld [smem:$0x3FB5]  }
0x2d: {  	s3 =	simm.s32 $0x108;
	s8 =	sld [smem:$0x3FB6]  }
0x2e: {  	s3 =	simm.s32 @!p0 $0x1082;
	s9 =	sld [smem:$0x3FB7]  }
0x2f: {  	lr =	sadd.s32 s0, s3;
	s0 =	sld [smem:$0x3FAE]  }
0x30: {  	s3 =	sld [smem:$0x3FB1]  }
0x31: {  	[smem:$0x3FBA] =	sst s10  }
0x32: {  	s10 =	sld [smem:$0x3FB8];
	_ =	sdelay $0x3  }
0x33: {  	p0 =	seq.s32 s10, $0x1;
	s10 =	sld [smem:$0x3FBA];
	_ =	sdelay $0x3  }
0x34: {  	[smem:$0x3FBA] =	sst s10  }
0x35: {  	s10 =	sld [smem:$0x3FB9];
	_ =	sdelay $0x3  }
0x36: {  	p1 =	seq.s32 s10, $0x1;
	s10 =	sld [smem:$0x3FBA];
	_ =	sdelay $0x3  }
0x37: {  	[smem:$0x3FBA] =	sst s10  }
0x38: {  	s10 =	sld [smem:$0x3FBB]  }
0x39: {  	_ = 	snop;
	(pc) =	sbr.ind lr, $3  }
0x3a: {  	_ = 	snop  }
0x3b: {  	_ = 	snop  }
0x3c: {  	p2 =	seq.s32 s10, $0x1;
	s10 =	sld [smem:$0x3FBA]  }
0x3d: {  	_ =	shalt  }
0x3e: {  	_ =	shalt  }
0x3f: {  	_ =	shalt  }
0x40: {  	_ =	shalt  }
0x41: {  	_ =	shalt  }
0x42: {  	_ =	shalt  }
0x43: {  	_ =	shalt  }
0x44: {  	_ =	shalt  }
0x45: {  	_ =	shalt  }
0x46: {  	_ =	shalt  }
0x47: {  	_ =	shalt  }
0x48: {  	_ =	shalt  }
0x49: {  	_ =	shalt  }
0x4a: {  	_ =	shalt  }
0x4b: {  	_ =	shalt  }
0x4c: {  	_ =	shalt  }
0x4d: {  	_ =	shalt  }
0x4e: {  	_ =	shalt  }
0x4f: {  	_ =	shalt  }
0x50: {  	_ =	shalt  }
0x51: {  	_ =	shalt  }
0x52: {  	_ =	shalt  }
0x53: {  	_ =	shalt  }
0x54: {  	_ =	shalt  }
0x55: {  	_ =	shalt  }
0x56: {  	_ =	shalt  }
0x57: {  	_ =	shalt  }
0x58: {  	_ =	shalt  }
0x59: {  	_ =	shalt  }
0x5a: {  	_ =	shalt  }
0x5b: {  	_ =	shalt  }
0x5c: {  	_ =	shalt  }
0x5d: {  	_ =	shalt  }
0x5e: {  	_ =	shalt  }
0x5f: {  	_ =	shalt  }
0x60: {  	_ =	shalt  }
0x61: {  	_ =	shalt  }
0x62: {  	_ =	shalt  }
0x63: {  	_ =	shalt  }
0x64: {  	_ =	shalt  }
0x65: {  	_ =	shalt  }
0x66: {  	_ =	shalt  }
0x67: {  	_ =	shalt  }
0x68: {  	_ =	shalt  }
0x69: {  	_ =	shalt  }
0x6a: {  	_ =	shalt  }
0x6b: {  	_ =	shalt  }
0x6c: {  	_ =	shalt  }
0x6d: {  	_ =	shalt  }
0x6e: {  	_ =	shalt  }
0x6f: {  	_ =	shalt  }
0x70: {  	_ =	shalt  }
0x71: {  	_ =	shalt  }
0x72: {  	_ =	shalt  }
0x73: {  	_ =	shalt  }
0x74: {  	_ =	shalt  }
0x75: {  	_ =	shalt  }
0x76: {  	_ =	shalt  }
0x77: {  	_ =	shalt  }
0x78: {  	_ =	shalt  }
0x79: {  	_ =	shalt  }
0x7a: {  	_ =	shalt  }
0x7b: {  	_ =	shalt  }
0x7c: {  	_ =	shalt  }
0x7d: {  	_ =	shalt  }
0x7e: {  	_ =	shalt  }
0x7f: {  	_ =	shalt  }
0x80: {  	_ =	shalt  }
0x81: {  	_ =	shalt  }
0x82: {  	_ =	shalt  }
0x83: {  	_ =	shalt  }
0x84: {  	_ =	shalt  }
0x85: {  	_ =	shalt  }
0x86: {  	_ =	shalt  }
0x87: {  	_ =	shalt  }
.Lfunc_end0:
.L_simem_size_0:
called_computation_lowered:
.L_overlay_start_0:
0x88: {  	s2 =	sld [smem:$0x3FD9]  }
0x89: {  	s3 =	sld [smem:$0x3FFE];
	_ =	sdelay $0x1  }
0x8a: {  	s1 =	srdreg.scid  }
0x8b: {  	s0 =	sand.u32 $0x1, s1  }
0x8c: {  	s17 =	sshll.u32 s0, $0xA;
	s2 =	sadd.s32 s3, s2  }
0x8d: {  	s2 =	sadd.s32 s2, s17  }
0x8e: {  	[smem:$0x3FC6] =	sst s2  }
0x8f: {  	_ = 	snop  }
0x90: {  	s2 =	sld [smem:$0x3FC9]  }
0x91: {  	s18 =	sld [smem:$0x3FC8];
	(tm) =	ssettm $0x1  }
0x92: {  	s4 =	sld [smem:$0x3FFB];
	_ =	sdelay $0x3  }
0x93: {  	_ =	strace s4  }
0x94: {  	s4 =	sld [smem:$0x3FFC];
	_ =	sdelay $0x3  }
0x95: {  	_ =	strace s4  }
0x96: {  	s4 =	sld [smem:$0x3FFD];
	_ =	sdelay $0x3  }
0x97: {  	_ =	strace s4  }
0x98: {  	_ =	strace $0x8FFFFFFF  }
0x99: {  	s19 =	sld [smem:$0x3FDB];
	_ =	sdelay $0x1  }
0x9a: {  	s5 =	simm.s32 $_scs_section_size  }
0x9b: {  	s6 =	simm.s32 $_size__tile_overlayer_lowered;
	s7 =	simm.s32 $_tile_overlayer_lowered  }
0x9c: {  	s22 =	simm.s32 $0x1BFF;
	s21 =	sshll.u32 s7, $0x1;
	s4 =	sadd.s32 s5, s19  }
0x9d: {  	s8 =	simm.s32 $0x0;
	s20 =	sshll.u32 s6, $0x1;
	s6 =	sadd.s32 s21, s4  }
0x9e: {  	[timem:s8], [sflag:s22] =	dma.local [hbm:s6], s20  }
0x9f: {  	_ =	swait.ge [sflag:s22], s20  }
0xa0: {  	s5 =	ssub.s32 $0x0, s20;
	[sflag:s22] =	ssyncset.done $0x0  }
0xa1: {  	[sflag:s22] =	ssyncadd.s32 s5;
	_ =	sdelay $0x1  }
0xa2: {  	s23 =	simm.s32 $0x1B8B  }
0xa3: {  	_ =	swait.ge [sflag:s23], $0x1  }
0xa4: {  	[sflag:s23] =	ssyncset.done $0x0  }
0xa5: {  	s25 =	simm.s32 $0x1B8E;
	s24 =	sld [smem:$0x3FFE];
	[sflag:s23] =	ssyncadd.s32 $0xFFFFFFFF  }
0xa6: {  	s26 =	simm.s32 $execute0_lowered;
	[smem:$0x3FD2] =	sst s25  }
0xa7: {  	s6 =	sshll.u32 s26, $0x1;
	_ =	strace $0x80000046;
	[dreg:$0x1] =	wrdreg $0xFFFFFFFF  }
0xa8: {  	s28 =	simm.s32 $_size_execute0_lowered;
	s4 =	sadd.s32 s4, s6;
	[dreg:$0x0] =	wrdreg $0x0  }
0xa9: {  	s6 =	sshll.u32 s28, $0x1;
	[dreg:$0x2] =	wrdreg s4  }
0xaa: {  	[dreg:$0x3] =	wrdreg s6  }
0xab: {  	[dreg:$0x4] =	wrdreg $0xC0  }
0xac: {  	_ =	task [dreg:s8], $0x5FFFF  }
0xad: {  	[dreg:$0x1] =	wrdreg $0xFFFFFFFF  }
0xae: {  	[dreg:$0x0] =	wrdreg $0x60  }
0xaf: {  	[dreg:$0x2] =	wrdreg s2  }
0xb0: {  	[dreg:$0x3] =	wrdreg s18  }
0xb1: {  	[dreg:$0x4] =	wrdreg s24  }
0xb2: {  	[dreg:$0x5] =	wrdreg $0x9  }
0xb3: {  	_ =	task.clear_ibuf [dreg:s8], $0x6FFFF;
	_ =	strace $0x90000046  }
0xb4: {  	s29 =	simm.s32 $0x9;
	_ =	strace $0x80000048  }
0xb5: {  	_ =	swait.ge [sflag:s29], $0x1  }
0xb6: {  	[sflag:s29] =	ssyncadd.s32 $0xFFFFFFFF  }
0xb7: {  	_ =	strace $0x90000048  }
0xb8: {  	_ =	sfence  }
0xb9: {  	s30 =	sld [smem:$0x0];
	_ =	sdelay $0x2  }
0xba: {  	s31 =	sshll.u32 s1, $0xD;
	s1 =	sshrl.u32 s1, $0x2  }
0xbb: {  	s3 =	sand.u32 $0x4000, s31;
	s1 =	sadd.s32 s1, s30  }
0xbc: {  	s0 =	sor.u32 s3, s0;
	s1 =	sshll.u32 s1, $0x11  }
0xbd: {  	s0 =	sor.u32 s1, s0  }
0xbe: {  	s0 =	sadd.s32 $0x8F2B, s0  }
0xbf: {  	[sflag:s0] =	ssyncadd.remote.s32 $0x1  }
0xc0: {  	_ =	sfence.sel $0xFFFF  }
0xc1: {  	[dreg:$0x0] =	wrdreg $0xFFFFFFFF;
	(pc) =	sbr.abs _section_cstart, $3  }
0xc2: {  	[dreg:$0x1] =	wrdreg $0xFFFFFFFF  }
0xc3: {  	_ =	task.clear_ibuf [dreg:s8], $0x2FFFF;
	_ =	strace $0x9FFFFFFF  }
0xc4: {  	(tm) =	ssettm $0x7FFFFFFF  }
0xc5: {  	_ =	shalt  }
tec
execute0_lowered:
.L_overlay_start_1:
0x0: {  	(tag) =	ssettag $0x1  }
0x1: {  	v0 =	vimm.s32 $0xEFCDAB89;
	v1 =	vimm.s32 $0x67452301;
	v2 =	vimm.s32 $0xDCFE98BA  }
0x2: {  	v3 =	vimm.s32 $0x54761032;
	vm0 =	vmxor vm0, vm0;
	v4 =	vimm.s32 $0x3F80  }
0x3: {  	vm14 =	vcmask $0x300;
	vm1 =	vcmask $0x704;
	v5 =	vimm.s32 $0x32107654  }
0x4: {  	vm15 =	vcmask $0xB08;
	vm13 =	vcmask $0xF0C;
	vm12 =	vcmask $0x1310  }
0x5: {  	vm11 =	vcmask $0x1714;
	vm10 =	vcmask $0x1B18;
	vm9 =	vcmask $0x1F1C  }
0x6: {  	vm8 =	vcmask $0x2320;
	v6 =	vimm.s32 $0xFEDCBA98;
	vm7 =	vcmask $0x2724  }
0x7: {  	vm6 =	vcmask $0x2B28;
	vm5 =	vcmask $0x2F2C;
	vm4 =	vcmask $0x3330  }
0x8: {  	vm2 =	vcmask $0x3734;
	vm3 =	vcmask $0x3B38;
	v8 =	vimm.s32 $0x7F80  }
0x9: {  	v9 =	vimm.s32 $0xBF80;
	v10 =	vimm.s32 $0xFF80;
	v0 =	vunpack.c.l.s4.s8 v0  }
0xa: {  	v1 =	vunpack.c.l.s4.s8 v1;
	v2 =	vunpack.c.l.s4.s8 v2;
	v3 =	vunpack.c.l.s4.s8 v3  }
0xb: {  	v4 =	vsel vm14, $0x0, v4;
	v5 =	vunpack.c.l.s4.s8 v5;
	v6 =	vunpack.c.l.s4.s8 v6  }
0xc: {  	v8 =	vsel vm14, $0x4000, v8;
	v9 =	vsel vm14, $0x8000, v9;
	v10 =	vsel vm14, $0xC000, v10  }
0xd: {  	s1 =	srdreg.scid;
	s0 =	stileid.u32;
	v4 =	vsel vm1, $0x480, v4;
	v8 =	vsel vm1, $0x4480, v8;
	v9 =	vsel vm1, $0x8480, v9  }
0xe: {  	s7 =	sand.u32 $0x1, s1;
	s29 =	sshll.u32 s0, $0x1;
	v10 =	vsel vm1, $0xC480, v10;
	v0 =	vunpack.c.0.s8.s32 v0;
	v1 =	vunpack.c.0.s8.s32 v1  }
0xf: {  	s5 =	sor.u32 s7, s29;
	v2 =	vunpack.c.0.s8.s32 v2;
	v3 =	vunpack.c.0.s8.s32 v3;
	v4 =	vsel vm15, $0x900, v4  }
0x10: {  	p0 =	seq.s32 s5, $0x0;
	v5 =	vunpack.c.0.s8.s32 v5;
	v6 =	vunpack.c.0.s8.s32 v6;
	v8 =	vsel vm15, $0x4900, v8  }
0x11: {  	v9 =	vsel vm15, $0x8900, v9;
	v10 =	vsel vm15, $0xC900, v10;
	vm0 =	vmneg @p0 vm0  }
0x12: {  	v4 =	vsel vm13, $0xD80, v4;
	v8 =	vsel vm13, $0x4D80, v8;
	v9 =	vsel vm13, $0x8D80, v9  }
0x13: {  	v10 =	vsel vm13, $0xCD80, v10;
	v1 =	vcombine.low v1, v0;
	v0 =	vimm.s32 $0x0  }
0x14: {  	v2 =	vcombine.low v3, v2;
	v3 =	vimm.s32 $0xBA98FEDC;
	v4 =	vsel vm12, $0x1200, v4  }
0x15: {  	v6 =	vand.u32 $0xF, v6;
	v8 =	vsel vm12, $0x5200, v8;
	v9 =	vsel vm12, $0x9200, v9  }
0x16: {  	v10 =	vsel vm12, $0xD200, v10;
	v3 =	vunpack.c.l.s4.s8 v3;
	v4 =	vsel vm11, $0x1680, v4  }
0x17: {  	v8 =	vsel vm11, $0x5680, v8;
	v9 =	vsel vm11, $0x9680, v9;
	v10 =	vsel vm11, $0xD680, v10  }
0x18: {  	v1 =	vand.u32 $0xF, v1;
	v2 =	vand.u32 $0xF, v2;
	v4 =	vsel vm10, $0x1B00, v4  }
0x19: {  	v8 =	vsel vm10, $0x5B00, v8;
	v9 =	vsel vm10, $0x9B00, v9;
	v10 =	vsel vm10, $0xDB00, v10  }
0x1a: {  	v3 =	vunpack.c.0.s8.s32 v3;
	v4 =	vsel vm9, $0x1F80, v4;
	v8 =	vsel vm9, $0x5F80, v8  }
0x1b: {  	v9 =	vsel vm9, $0x9F80, v9;
	v10 =	vsel vm9, $0xDF80, v10;
	v4 =	vsel vm8, $0x2000, v4  }
0x1c: {  	v8 =	vsel vm8, $0x6000, v8;
	v9 =	vsel vm8, $0xA000, v9;
	v10 =	vsel vm8, $0xE000, v10  }
0x1d: {  	v3 =	vcombine.low v5, v3;
	v5 =	vimm.s32 $0x76543210;
	v4 =	vsel vm7, $0x2480, v4  }
0x1e: {  	s2 =	rddreg [dreg:$0x1];
	v8 =	vsel vm7, $0x6480, v8;
	v9 =	vsel vm7, $0xA480, v9;
	v10 =	vsel vm7, $0xE480, v10  }
0x1f: {  	s6 =	rddreg [dreg:$0x2];
	v5 =	vunpack.c.l.s4.s8 v5;
	v4 =	vsel vm6, $0x2900, v4;
	v8 =	vsel vm6, $0x6900, v8  }
0x20: {  	s3 =	rddreg [dreg:$0x3];
	s4 =	simm.s32 $0x0;
	s11 =	simm.s32 $0x1;
	v9 =	vsel vm6, $0xA900, v9;
	v10 =	vsel vm6, $0xE900, v10;
	v4 =	vsel vm5, $0x2D80, v4  }
0x21: {  	s12 =	simm.s32 $0x10900;
	s13 =	simm.s32 $0x80;
	s1 =	rddreg [dreg:$0x0];
	v3 =	vand.u32 $0xF, v3;
	v8 =	vsel vm5, $0x6D80, v8;
	v9 =	vsel vm5, $0xAD80, v9  }
0x22: {  	s14 =	simm.s32 $0x10880;
	s15 =	simm.s32 $0x0;
	[smem:$0x7FF] =	sst s4;
	v10 =	vsel vm5, $0xED80, v10;
	v5 =	vunpack.c.0.s8.s32 v5;
	v4 =	vsel vm4, $0x3200, v4  }
0x23: {  	s30 =	sshll.u32 s0, $0x7;
	_ =	strace $0x80000047;
	s8 =	ssub.s32 $0x2, s7;
	v8 =	vsel vm4, $0x7200, v8;
	v9 =	vsel vm4, $0xB200, v9;
	v10 =	vsel vm4, $0xF200, v10  }
0x24: {  	s31 =	sshll.u32 s7, $0x6;
	s9 =	sshll.u32 s5, $0x4;
	s10 =	sshrl.u32 s8, $0x1;
	v7 =	vsel vm2, $0x3680, v4;
	v8 =	vsel vm2, $0x7680, v8;
	v9 =	vsel vm2, $0xB680, v9  }
0x25: {  	s5 =	sshll.u32 s5, $0x3;
	s6 =	sadd.s32 s9, s6;
	s8 =	ssub.s32 s8, s10;
	v10 =	vsel vm2, $0xF680, v10;
	vm2 =	vmmov $0x1;
	v4 =	vcombine.low v6, v5  }
0x26: {  	s5 =	sadd.s32 s2, s5;
	s9 =	simm.s32 $0x2;
	s10 =	simm.s32 $0x10080;
	v5 =	vsel vm3, $0x3B00, v7;
	v6 =	vimm.f32 $0.0e+00;
	v7 =	vimm.f32 $1.000000000e+00  }
0x27: {  	s6 =	sadd.s32 $0x200, s6;
	s7 =	smax.u32 s8, $0x1;
	s8 =	sor.u32 s31, s30;
	v8 =	vsel vm3, $0x7B00, v8;
	v9 =	vsel vm3, $0xBB00, v9;
	v10 =	vsel vm3, $0xFB00, v10  }
.LBB2_1:
0x28: {  	[tilespmem:s4], [sflag:$0x2] =	stream.linear.gather [hbm4b:s5+s4], $0x40, $0x38;
	[tilespmem:$0x10980] =	vst v63  }
0x29: {  	_ =	swait.ge [sflag:s9], $0x40  }
0x2a: {  	[sflag:s9] =	ssyncset.done $0x0  }
0x2b: {  	v11 =	vmov s4;
	[sflag:s9] =	ssyncadd.s32 $0xFFFFFFC0  }
0x2c: {  	[tilespmem:s10], [sflag:$0x2] =	stream.linear.gather [hbm4b:s2+s4], $0x800, $0x38;
	[tilespmem:$0x10980] =	vst v63  }
0x2d: {  	_ =	swait.ge [sflag:s9], $0x800  }
0x2e: {  	[sflag:s9] =	ssyncset.done $0x0  }
0x2f: {  	[sflag:s9] =	ssyncadd.s32 $0xFFFFF800  }
0x30: {  	v11 =	vld.idx.msk [tilespmem:v11+s4+$0x0], $0xffff;
	_ =	sdelay $0x4  }
0x31: {  	(v2sf) =	vpush v11, $0x0;
	_ =	sdelay $0xd  }
0x32: {  	s16 =	sadd.s32 $0x0, s8  }
0x33: {  	s16 =	sshrl.u32 s16, $0x3;
	s17 =	spop (v2sf)  }
0x34: {  	s18 =	simm.s32 $0x1;
	s16 =	smul.u32 $0x3E800, s16;
	s17 =	sshll.u32 s17, $0x3  }
0x35: {  	v11 =	vmov s18;
	s17 =	sand.u32 $0x7FFFFC00, s17  }
0x36: {  	s16 =	sadd.s32 s16, s17  }
0x37: {  	s16 =	sshrl.u32 s16, $0x3  }
0x38: {  	s16 =	sadd.s32 s1, s16  }
0x39: {  	[tilespmem:s13], [sflag:$0x1] =	stream.linear.gather [hbm4b:s16+s4], $0x400, $0x38;
	[tilespmem:$0x10980] =	vst v63  }
0x3a: {  	v11 =	vld.idx.msk [tilespmem:v11+s4+$0x0], $0xffff;
	_ =	sdelay $0x4  }
0x3b: {  	(v2sf) =	vpush v11, $0x0;
	_ =	sdelay $0xd  }
0x3c: {  	s28 =	sadd.s32 $0x1, s8  }
0x3d: {  	s29 =	sshrl.u32 s28, $0x3;
	s30 =	spop (v2sf)  }
0x3e: {  	s19 =	smul.u32 $0x3E800, s29;
	s16 =	simm.s32 $0x2;
	s31 =	sshll.u32 s30, $0x3  }
0x3f: {  	s18 =	simm.s32 $0x3;
	s17 =	simm.s32 $0x80;
	v11 =	vmov s16;
	s20 =	sand.u32 $0x7FFFFC00, s31  }
.LBB2_2:
0x40: {  	p0 =	sne.s32 s18, $0x3F;
	s19 =	sadd.s32 s19, s20  }
0x41: {  	s19 =	sshrl.u32 s19, $0x3  }
0x42: {  	s17 =	sadd.s32 $0x400, s17;
	s19 =	sadd.s32 s1, s19  }
0x43: {  	[tilespmem:s17], [sflag:$0x1] =	stream.linear.gather [hbm4b:s19+s4], $0x400, $0x38;
	[tilespmem:$0x10980] =	vst v63  }
0x44: {  	v11 =	vld.idx.msk [tilespmem:v11+s4+$0x0], $0xffff;
	_ =	sdelay $0x5  }
0x45: {  	(v2sf) =	vpush v11, $0x0;
	_ =	sdelay $0xc  }
.Ltmp0:
0x46: {  	(pc) =	sbr.rel @p0 .LBB2_2-.Ltmp0, $4  }
0x47: {  	s19 =	sadd.s32 s16, s8;
	s16 =	smov.u32 s18  }
0x48: {  	s19 =	sshrl.u32 s19, $0x3;
	s20 =	spop (v2sf)  }
0x49: {  	s19 =	smul.u32 $0x3E800, s19;
	s20 =	sshll.u32 s20, $0x3  }
0x4a: {  	s18 =	sadd.s32 $0x1, s18;
	v11 =	vmov s16;
	s20 =	sand.u32 $0x7FFFFC00, s20  }
0x4b: {  	s18 =	sadd.s32 s19, s20  }
0x4c: {  	s18 =	sshrl.u32 s18, $0x3  }
0x4d: {  	s17 =	sadd.s32 $0x400, s17;
	s18 =	sadd.s32 s1, s18  }
0x4e: {  	[tilespmem:s17], [sflag:$0x1] =	stream.linear.gather [hbm4b:s18+s4], $0x400, $0x38;
	[tilespmem:$0x10980] =	vst v63  }
0x4f: {  	v11 =	vld.idx.msk [tilespmem:v11+s4+$0x0], $0xffff;
	_ =	sdelay $0x4  }
0x50: {  	(v2sf) =	vpush v11, $0x0;
	_ =	sdelay $0xd  }
0x51: {  	s16 =	sadd.s32 s16, s8  }
0x52: {  	s16 =	sshrl.u32 s16, $0x3;
	s31 =	spop (v2sf)  }
0x53: {  	s16 =	smul.u32 $0x3E800, s16;
	s18 =	sshll.u32 s31, $0x3  }
0x54: {  	s18 =	sand.u32 $0x7FFFFC00, s18  }
0x55: {  	s16 =	sadd.s32 s16, s18  }
0x56: {  	s16 =	sshrl.u32 s16, $0x3  }
0x57: {  	s17 =	sadd.s32 $0x400, s17;
	s16 =	sadd.s32 s1, s16  }
0x58: {  	[tilespmem:s17], [sflag:$0x1] =	stream.linear.gather [hbm4b:s16+s4], $0x400, $0x38;
	[tilespmem:$0x10980] =	vst v63  }
0x59: {  	s16 =	simm.s32 $0x40  }
.LBB2_4:
0x5a: {  	p0 =	sne.s32 s16, $0x1  }
.Ltmp1:
0x5b: {  	_ = 	snop;
	(pc) =	sbr.rel @p0 .LBB2_4-.Ltmp1, $4  }
0x5c: {  	_ = 	snop  }
0x5d: {  	_ =	swait.ge [sflag:s11], $0x400  }
0x5e: {  	[sflag:s11] =	ssyncset.done $0x0  }
0x5f: {  	s16 =	sadd.s32 $0xFFFFFFFF, s16;
	[sflag:s11] =	ssyncadd.s32 $0xFFFFFC00  }
0x60: {  	s17 =	simm.s32 $0x0  }
0x61: {  	v12 =	vld [tilespmem:s17+$0x10080]  }
0x62: {  	v11 =	vimm.s32 $0x0;
	s16 =	simm.s32 $0x40  }
.LBB2_6:
0x63: {  	p0 =	sne.s32 s16, $0x1FC0  }
.Ltmp2:
0x64: {  	_ = 	snop;
	(pc) =	sbr.rel @p0 .LBB2_6-.Ltmp2, $4  }
0x65: {  	_ = 	snop  }
0x66: {  	s17 =	sshra.s32 s16, $0x2;
	s16 =	sadd.s32 $0x40, s16;
	vm3 =	veq.s32 v12, $0x0  }
0x67: {  	v12 =	vld [tilespmem:s17+$0x10080];
	v13 =	vsel vm3, $0x1, v0  }
0x68: {  	v11 =	vadd.s32 v13, v11  }
0x69: {  	_ =	sdelay $0x2  }
0x6a: {  	vm3 =	veq.s32 v12, $0x0  }
0x6b: {  	v12 =	vsel vm3, $0x1, v0  }
0x6c: {  	v11 =	vadd.s32 v12, v11  }
0x6d: {  	[tilespmem:$0x10900] =	vst v11  }
0x6e: {  	v52 =	vld.idx.msk [tilespmem:v1+s12+$0x0], $0xffff;
	_ =	sdelay $0x4  }
0x6f: {  	v11 =	vadd.s32 v11, v52  }
0x70: {  	[tilespmem:$0x10900] =	vst v11  }
0x71: {  	v53 =	vld.idx.msk [tilespmem:v2+s12+$0x0], $0xffff;
	_ =	sdelay $0x2  }
0x72: {  	v13 =	vld [tilespmem:$0x0];
	_ =	sdelay $0x1  }
0x73: {  	v54 =	vld [tilespmem:$0x10];
	v11 =	vadd.s32 v11, v53  }
0x74: {  	v16 =	vld [tilespmem:$0x20];
	[tilespmem:$0x10900] =	vst v11  }
0x75: {  	v14 =	vld.idx.msk [tilespmem:v3+s12+$0x0], $0xffff  }
0x76: {  	v15 =	vand.u32 $0x7F, v13  }
0x77: {  	v18 =	vld [tilespmem:$0x30];
	v15 =	vor.u32 v5, v15  }
0x78: {  	v17 =	vand.u32 $0x7F, v54  }
0x79: {  	v55 =	vor.u32 v8, v17  }
0x7a: {  	v56 =	vand.u32 $0x7F, v16;
	v11 =	vadd.s32 v11, v14  }
0x7b: {  	v17 =	vor.u32 v9, v56;
	[tilespmem:$0x10900] =	vst v11  }
0x7c: {  	v20 =	vand.u32 $0x7F, v18;
	v15 =	vld.idx.msk [tilespmem:v15+s13+$0x0], $0xffff  }
0x7d: {  	v20 =	vor.u32 v10, v20;
	v19 =	vld.idx.msk [tilespmem:v4+s12+$0x0], $0xffff  }
0x7e: {  	v14 =	vld.idx.msk [tilespmem:v55+s13+$0x0], $0xffff;
	_ =	sdelay $0x1  }
0x7f: {  	vm3 =	vne.s32 v13, $0x0;
	vm4 =	veq.s32 v54, $0x0;
	v17 =	vld.idx.msk [tilespmem:v17+s13+$0x0], $0xffff  }
0x80: {  	v57 =	vsel vm3, $0x3F800000, v6;
	v58 =	vsel vm4, $0x0, v7;
	v21 =	vadd.f32 $0.0e+00, v15  }
0x81: {  	vm13 =	veq.s32 v16, $0x0;
	vm15 =	veq.s32 v18, $0x0;
	v12 =	vadd.f32 v58, v57;
	v20 =	vld.idx.msk [tilespmem:v20+s13+$0x0], $0xffff  }
0x82: {  	v11 =	vadd.s32 v11, v19;
	v14 =	vsel vm4, $0x0, v14;
	v13 =	vnsel vm3, $0x0, v21  }
0x83: {  	v59 =	vsel vm13, $0x0, v7;
	vm5 =	vgt.s32 v11, $0x0;
	v13 =	vadd.f32 v14, v13  }
0x84: {  	v12 =	vadd.f32 v59, v12;
	v11 =	vsel vm13, $0x0, v17;
	vm14 =	vmand vm3, vm5  }
0x85: {  	vm3 =	vmand vm3, vm2;
	vm4 =	vmand vm14, vm1;
	v11 =	vadd.f32 v11, v13  }
0x86: {  	v61 =	vsel vm15, $0x0, v7;
	v60 =	vsel vm15, $0x0, v20;
	vm3 =	vmor vm3, vm4  }
0x87: {  	v12 =	vadd.f32 v61, v12;
	vm3 =	vmand vm0, vm3;
	v11 =	vadd.f32 v60, v11  }
0x88: {  	v62 =	vnsel vm3, $0x0, v15;
	v63 =	vsel vm3, $0x3F800000, v6  }
0x89: {  	v12 =	vsub.f32 v12, v63;
	v11 =	vsub.f32 v11, v62;
	_ =	sdelay $0x1  }
0x8a: {  	v12 =	vmul.f32 $-1.362425800e+00, v12;
	v11 =	vmul.f32 $-8.999968760e-01, v11;
	_ =	sdelay $0x1  }
0x8b: {  	s15 =	sadd.s32 $0x1, s15;
	v11 =	vadd.f32 v11, v12  }
0x8c: {  	p0 =	sne.s32 s15, s7  }
.Ltmp3:
0x8d: {  	[tilespmem:$0x10880] =	vst v11;
	(pc) =	sbr.rel @p0 .LBB2_1-.Ltmp3, $4  }
0x8e: {  	[hbm4b:s6+s4] =	stream.linear.scatter [tilespmem:s14], [sflag:$0x2], $0x80, $0x38;
	[tilespmem:$0x10980] =	vst v63  }
0x8f: {  	_ =	swait.ge [sflag:s9], $0x80  }
0x90: {  	[sflag:s9] =	ssyncset.done $0x0  }
0x91: {  	[sflag:s9] =	ssyncadd.s32 $0xFFFFFF80  }
0x92: {  	_ =	sfence.sel $0x180000  }
0x93: {  	[bflag:$0x0] =	sbarrier.arrive $0xFFFF  }
0x94: {  	p0 =	sne.s32 s0, $0x0;
	_ =	strace $0x90000047  }
0x95: {  	s0 =	sadd.s32 @!p0 $0x100000, s3;
	[bflag:$0x2] =	sbarrier.arrive $0xFFFF  }
0x96: {  	[sflag:s0] =	ssyncadd.tile.s32 @!p0 $0x1;
	_ =	shalt  }
.Lfunc_end2:
_tile_overlayer_lowered:
.L_overlay_start_2:
0x97: {  	(tag) =	ssettag $0x2  }
0x98: {  	s0 =	rddreg [dreg:$0x0];
	s2 =	stileid.u32  }
0x99: {  	s1 =	rddreg [dreg:$0x1];
	p0 =	sne.s32 s2, $0x0  }
0x9a: {  	s3 =	rddreg [dreg:$0x2];
	[bflag:$0x3] =	sbarrier.arrive $0xFFFF;
	s2 =	simm.s32 @!p0 $0x1C02  }
0x9b: {  	[timem:s3], [sflag:s2] =	dma.local @!p0 [hbm:s0], s1  }
0x9c: {  	s0 =	simm.s32 @!p0 $0x2  }
0x9d: {  	_ =	swait.ge @!p0 [sflag:s0], s1  }
0x9e: {  	s1 =	ssub.s32 @!p0 $0x0, s1;
	[sflag:s0] =	ssyncset.done @!p0 $0x0  }
0x9f: {  	[sflag:s0] =	ssyncadd.s32 @!p0 s1  }
0xa0: {  	[bflag:$0x3] =	sbarrier.arrive $0xFFFF  }
0xa1: {  	_ =	shalt  }

</sc_bundles>
